<compile_context>
chip_gen: v7x
topology: tpu7x:2x2x1
jax: 0.10.2.dev20260603
libtpu: 0.0.44.dev20260713+nightly
codegen_flags: <defaults>
</compile_context>

<pallas_src>
import functools

import jax
import jax.numpy as jnp
from jax import lax
from jax.experimental import pallas as pl
from jax.experimental.pallas import tpu as pltpu
from jax.experimental.pallas import tpu_sc as plsc

N = 10000
D = 128
E = 320000
NC = 2
NS = 16
NW = NC * NS
EPW = E // NW
CHUNK = 80
NCHUNKS = EPW // CHUNK
NP = 10240
RPW = NP // NS
_ZCOPIES = RPW // CHUNK


def _spmm_body(x_hbm, src_hbm, dst_hbm, ew_hbm, out_hbm,
               src_v, dst_v, ew_v, rows_v, acc_sh, gsem):
    c = lax.axis_index("c")
    s = lax.axis_index("s")

    def zrow(k, carry):
        for j in range(D // 16):
            rows_v[k, pl.ds(j * 16, 16)] = jnp.zeros((16,), jnp.float32)
        return carry
    lax.fori_loop(0, CHUNK, zrow, 0)
    row0 = s * RPW
    for t in range(_ZCOPIES):
        pltpu.sync_copy(rows_v, acc_sh.at[pl.ds(row0 + t * CHUNK, CHUNK)])
    plsc.subcore_barrier()

    ebase = (s * NC + c) * EPW

    def body(i, carry):
        base = ebase + i * CHUNK
        pltpu.sync_copy(src_hbm.at[pl.ds(base, CHUNK)], src_v)
        pltpu.sync_copy(dst_hbm.at[pl.ds(base, CHUNK)], dst_v)
        pltpu.sync_copy(ew_hbm.at[pl.ds(base, CHUNK)], ew_v)
        pltpu.async_copy(x_hbm.at[src_v], rows_v, gsem).wait()

        def scale(k, c2):
            w = plsc.load_gather(ew_v, [jnp.zeros((16,), jnp.int32) + k])
            for j in range(D // 16):
                rows_v[k, pl.ds(j * 16, 16)] = rows_v[k, pl.ds(j * 16, 16)] * w
            return c2
        lax.fori_loop(0, CHUNK, scale, 0)
        pltpu.sync_copy(rows_v, acc_sh.at[dst_v], add=True)
        return carry
    lax.fori_loop(0, NCHUNKS, body, 0)
    plsc.subcore_barrier()

    pltpu.sync_copy(acc_sh.at[pl.ds(row0, RPW)],
                    out_hbm.at[c, pl.ds(row0, RPW)])


@jax.jit
def _spmm(x, src, dst, ew):
    mesh = plsc.VectorSubcoreMesh(core_axis_name="c", subcore_axis_name="s")
    return pl.kernel(
        _spmm_body,
        out_type=jax.ShapeDtypeStruct((NC, NP, D), jnp.float32),
        mesh=mesh,
        scratch_types=[
            pltpu.VMEM((CHUNK,), jnp.int32),
            pltpu.VMEM((CHUNK,), jnp.int32),
            pltpu.VMEM((CHUNK,), jnp.float32),
            pltpu.VMEM((CHUNK, D), jnp.float32),
            pltpu.VMEM_SHARED((NP, D), jnp.float32),
            pltpu.SemaphoreType.DMA,
        ],
        compiler_params=pltpu.CompilerParams(needs_layout_passes=False),
    )(x, src, dst, ew)


def _dense_body(z_ref, xin_ref, W_ref, S_ref, b_ref, g_ref, be_ref, out_ref):
    z = z_ref[0, :N, :] + z_ref[1, :N, :]
    xin = xin_ref[...]
    h = jnp.dot(z, W_ref[...], preferred_element_type=jnp.float32)
    h = h + jnp.dot(xin, S_ref[...], preferred_element_type=jnp.float32)
    h = h + b_ref[...]
    mean = jnp.mean(h, axis=0, keepdims=True)
    cen = h - mean
    var = jnp.mean(cen * cen, axis=0, keepdims=True)
    hn = cen * lax.rsqrt(var + 1e-5) * g_ref[...] + be_ref[...]
    out_ref[...] = xin + jnp.maximum(hn, 0.0)


def _dense(z, xin, W, S, b, g, be):
    return pl.pallas_call(
        _dense_body,
        out_shape=jax.ShapeDtypeStruct((N, D), jnp.float32),
    )(z, xin, W, S, b.reshape(1, D), g.reshape(1, D), be.reshape(1, D))


def kernel(x, edge_index, edge_weight,
           W0, S0, b0, g0, be0,
           W1, S1, b1, g1, be1,
           W2, S2, b2, g2, be2):
    src = edge_index[0].astype(jnp.int32)
    dst = edge_index[1].astype(jnp.int32)
    ew = edge_weight.astype(jnp.float32)
    z0 = _spmm(x, src, dst, ew)
    x1 = _dense(z0, x, W0, S0, b0, g0, be0)
    z2 = _spmm(x1, src, dst, ew)
    return _dense(z2, x1, W2, S2, b2, g2, be2)

# --- scband reference (transcript-rebuilt; emitter-appended) ---
"""Pipeline reference for scband-inception-gcnblock-16338055594707 (READ-ONLY COPY).

The authoritative reference and input builder live on the scoring server;
editing this copy changes nothing except your own understanding.
"""

import jax, jax.numpy as jnp
import numpy as np

N = 10000
E = 320000
D = 128


def _uniform(k, shape, stdv):
    return jax.random.uniform(k, shape, dtype=jnp.float32, minval=-stdv, maxval=stdv)


def setup_inputs(seed: int = 0) -> dict:
    key = jax.random.key(seed)
    ks = [jax.random.fold_in(key, i) for i in range(64)]
    stdv = 1.0 / np.sqrt(D)
    inp = {}
    inp['x'] = jax.random.normal(ks[0], (N, D), dtype=jnp.float32)
    inp['edge_index'] = jax.random.randint(ks[1], (2, E), 0, N)
    inp['edge_weight'] = jax.random.uniform(ks[2], (E,), dtype=jnp.float32)
    # 3 GraphConvolutionBS layers: reslayer0 has 1 layer, reslayer1 has 2 layers
    for l in range(3):
        inp['W%d' % l] = _uniform(ks[3 + 5 * l], (D, D), stdv)
        inp['S%d' % l] = _uniform(ks[4 + 5 * l], (D, D), stdv)
        inp['b%d' % l] = _uniform(ks[5 + 5 * l], (D,), stdv)
        inp['g%d' % l] = jnp.ones((D,), dtype=jnp.float32)   # BN gamma
        inp['be%d' % l] = jnp.zeros((D,), dtype=jnp.float32)  # BN beta
    return inp


def _gcn_bs(x, src, dst, ew, W, S, b, g, be):
    # support = x @ W ; output = spmm(A, support) ; + self loop ; + bias ; BN ; relu
    support = x @ W
    msg = support[src] * ew[:, None]
    agg = jax.ops.segment_sum(msg, dst, num_segments=N)
    out = agg + x @ S + b
    # BatchNorm1d in training mode: batch statistics over nodes
    mean = jnp.mean(out, axis=0)
    var = jnp.var(out, axis=0)
    out = (out - mean) / jnp.sqrt(var + 1e-5) * g + be
    return jax.nn.relu(out)


def reference(x, edge_index, edge_weight,
              W0, S0, b0, g0, be0,
              W1, S1, b1, g1, be1,
              W2, S2, b2, g2, be2):
    src = edge_index[0]
    dst = edge_index[1]
    # reslayer 0 : one layer; aggrmethod='add' -> x = x + subx
    subx = _gcn_bs(x, src, dst, edge_weight, W0, S0, b0, g0, be0)
    x = x + subx
    # reslayer 1 : two layers. NOTE: original code has `subx = gc(graph, x)` inside
    # the inner loop (uses x, not subx), so each inner layer reads x and the last
    # assignment wins. We reproduce that faithfully.
    subx = _gcn_bs(x, src, dst, edge_weight, W1, S1, b1, g1, be1)
    subx = _gcn_bs(x, src, dst, edge_weight, W2, S2, b2, g2, be2)
    x = x + subx
    return x

if __name__ == "__main__":
    import jax
    _d = setup_inputs()
    print(jax.jit(kernel)(*tuple(_d.values())))

</pallas_src>

<mosaic_0001>
#map = affine_map<(d0, d1) -> (0, 0)>
#map1 = affine_map<(d0, d1) -> (0)>
#map2 = affine_map<(d0, d1) -> (0, 0, 0)>
module attributes {stable_mosaic.version = 14 : i64} {
  func.func @_spmm_body(%arg0: i32, %arg1: i32, %arg2: memref<10000x128xf32, #tpu.memory_space<hbm>>, %arg3: memref<320000xi32, #tpu.memory_space<hbm>>, %arg4: memref<320000xi32, #tpu.memory_space<hbm>>, %arg5: memref<320000xf32, #tpu.memory_space<hbm>>, %arg6: memref<2x10240x128xf32, #tpu.memory_space<hbm>>, %arg7: memref<80xi32, #tpu.memory_space<vmem>>, %arg8: memref<80xi32, #tpu.memory_space<vmem>>, %arg9: memref<80xf32, #tpu.memory_space<vmem>>, %arg10: memref<80x128xf32, #tpu.memory_space<vmem>>, %arg11: memref<10240x128xf32, #tpu.memory_space<vmem_shared>>, %arg12: memref<!tpu.dma_semaphore, #tpu.memory_space<semaphore_mem>>) attributes {dimension_semantics = [#tpu.dimension_semantics<core_parallel>, #tpu.dimension_semantics<subcore_parallel>], iteration_bounds = array<i64: 2, 16>, scalar_prefetch = 0 : i64, scratch_operands = 6 : i64, tpu.core_type = #tpu.core_type<sc_vector_subcore>, window_params = [{transform_indices = #map}, {transform_indices = #map1}, {transform_indices = #map1}, {transform_indices = #map1}, {transform_indices = #map2}]} {
    %scan3A = arith.constant 0 : i32
    %scan3A_0 = arith.constant 0 : i32
    %scan3A_1 = arith.constant 80 : i32
    %scan3A_2 = arith.addi %scan3A_0, %scan3A_1 : i32
    %scan3A_3 = arith.constant 1 : i32
    scf.for %scan3A_33 = %scan3A_0 to %scan3A_2 step %scan3A_3  : i32 {
      %broadcast_in_dim3A = arith.constant 0.000000e+00 : f32
      %broadcast_in_dim3A_34 = vector.broadcast %broadcast_in_dim3A : f32 to vector<16xf32>
      %swap3A = arith.index_cast %scan3A_33 : i32 to index
      %swap3A_35 = arith.constant 0 : index
      %swap3A_36 = tpu.vector_load %arg10[%swap3A, %swap3A_35] {strides = array<i32>} : memref<80x128xf32, #tpu.memory_space<vmem>>, vector<16xf32>,
      tpu.vector_store %arg10[%swap3A, %swap3A_35], %broadcast_in_dim3A_34 {strides = array<i32>} : memref<80x128xf32, #tpu.memory_space<vmem>>, vector<16xf32>,
      %broadcast_in_dim3A_37 = arith.constant 0.000000e+00 : f32
      %broadcast_in_dim3A_38 = vector.broadcast %broadcast_in_dim3A_37 : f32 to vector<16xf32>
      %swap3A_39 = arith.index_cast %scan3A_33 : i32 to index
      %swap3A_40 = arith.constant 16 : index
      %swap3A_41 = tpu.vector_load %arg10[%swap3A_39, %swap3A_40] {strides = array<i32>} : memref<80x128xf32, #tpu.memory_space<vmem>>, vector<16xf32>,
      tpu.vector_store %arg10[%swap3A_39, %swap3A_40], %broadcast_in_dim3A_38 {strides = array<i32>} : memref<80x128xf32, #tpu.memory_space<vmem>>, vector<16xf32>,
      %broadcast_in_dim3A_42 = arith.constant 0.000000e+00 : f32
      %broadcast_in_dim3A_43 = vector.broadcast %broadcast_in_dim3A_42 : f32 to vector<16xf32>
      %swap3A_44 = arith.index_cast %scan3A_33 : i32 to index
      %swap3A_45 = arith.constant 32 : index
      %swap3A_46 = tpu.vector_load %arg10[%swap3A_44, %swap3A_45] {strides = array<i32>} : memref<80x128xf32, #tpu.memory_space<vmem>>, vector<16xf32>,
      tpu.vector_store %arg10[%swap3A_44, %swap3A_45], %broadcast_in_dim3A_43 {strides = array<i32>} : memref<80x128xf32, #tpu.memory_space<vmem>>, vector<16xf32>,
      %broadcast_in_dim3A_47 = arith.constant 0.000000e+00 : f32
      %broadcast_in_dim3A_48 = vector.broadcast %broadcast_in_dim3A_47 : f32 to vector<16xf32>
      %swap3A_49 = arith.index_cast %scan3A_33 : i32 to index
      %swap3A_50 = arith.constant 48 : index
      %swap3A_51 = tpu.vector_load %arg10[%swap3A_49, %swap3A_50] {strides = array<i32>} : memref<80x128xf32, #tpu.memory_space<vmem>>, vector<16xf32>,
      tpu.vector_store %arg10[%swap3A_49, %swap3A_50], %broadcast_in_dim3A_48 {strides = array<i32>} : memref<80x128xf32, #tpu.memory_space<vmem>>, vector<16xf32>,
      %broadcast_in_dim3A_52 = arith.constant 0.000000e+00 : f32
      %broadcast_in_dim3A_53 = vector.broadcast %broadcast_in_dim3A_52 : f32 to vector<16xf32>
      %swap3A_54 = arith.index_cast %scan3A_33 : i32 to index
      %swap3A_55 = arith.constant 64 : index
      %swap3A_56 = tpu.vector_load %arg10[%swap3A_54, %swap3A_55] {strides = array<i32>} : memref<80x128xf32, #tpu.memory_space<vmem>>, vector<16xf32>,
      tpu.vector_store %arg10[%swap3A_54, %swap3A_55], %broadcast_in_dim3A_53 {strides = array<i32>} : memref<80x128xf32, #tpu.memory_space<vmem>>, vector<16xf32>,
      %broadcast_in_dim3A_57 = arith.constant 0.000000e+00 : f32
      %broadcast_in_dim3A_58 = vector.broadcast %broadcast_in_dim3A_57 : f32 to vector<16xf32>
      %swap3A_59 = arith.index_cast %scan3A_33 : i32 to index
      %swap3A_60 = arith.constant 80 : index
      %swap3A_61 = tpu.vector_load %arg10[%swap3A_59, %swap3A_60] {strides = array<i32>} : memref<80x128xf32, #tpu.memory_space<vmem>>, vector<16xf32>,
      tpu.vector_store %arg10[%swap3A_59, %swap3A_60], %broadcast_in_dim3A_58 {strides = array<i32>} : memref<80x128xf32, #tpu.memory_space<vmem>>, vector<16xf32>,
      %broadcast_in_dim3A_62 = arith.constant 0.000000e+00 : f32
      %broadcast_in_dim3A_63 = vector.broadcast %broadcast_in_dim3A_62 : f32 to vector<16xf32>
      %swap3A_64 = arith.index_cast %scan3A_33 : i32 to index
      %swap3A_65 = arith.constant 96 : index
      %swap3A_66 = tpu.vector_load %arg10[%swap3A_64, %swap3A_65] {strides = array<i32>} : memref<80x128xf32, #tpu.memory_space<vmem>>, vector<16xf32>,
      tpu.vector_store %arg10[%swap3A_64, %swap3A_65], %broadcast_in_dim3A_63 {strides = array<i32>} : memref<80x128xf32, #tpu.memory_space<vmem>>, vector<16xf32>,
      %broadcast_in_dim3A_67 = arith.constant 0.000000e+00 : f32
      %broadcast_in_dim3A_68 = vector.broadcast %broadcast_in_dim3A_67 : f32 to vector<16xf32>
      %swap3A_69 = arith.index_cast %scan3A_33 : i32 to index
      %swap3A_70 = arith.constant 112 : index
      %swap3A_71 = tpu.vector_load %arg10[%swap3A_69, %swap3A_70] {strides = array<i32>} : memref<80x128xf32, #tpu.memory_space<vmem>>, vector<16xf32>,
      tpu.vector_store %arg10[%swap3A_69, %swap3A_70], %broadcast_in_dim3A_68 {strides = array<i32>} : memref<80x128xf32, #tpu.memory_space<vmem>>, vector<16xf32>,
    }
    %scan3A_4 = arith.constant 80 : i32
    %mul3A = arith.constant 640 : i32
    %mul3A_5 = arith.muli %arg1, %mul3A : i32
    %add3A = arith.constant 0 : i32
    %add3A_6 = arith.addi %mul3A_5, %add3A : i32
    "tpu.region"() ({
      %run_scoped3A = tpu.sem_alloc : memref<!tpu.dma_semaphore, #tpu.memory_space<semaphore_mem>>
      %dma_start3A = arith.constant 0 : i32
      %dma_start3A_33 = tpu.memref_slice %arg11[%add3A_6, %dma_start3A] : memref<10240x128xf32, #tpu.memory_space<vmem_shared>> -> memref<80x128xf32, #tpu.memory_space<vmem_shared>>
      %dma_start3A_34 = arith.constant 0 : i32
      %dma_start3A_35 = tpu.memref_slice %arg11[%add3A_6, %dma_start3A_34] : memref<10240x128xf32, #tpu.memory_space<vmem_shared>> -> memref<80x128xf32, #tpu.memory_space<vmem_shared>>
      tpu.enqueue_dma source(%arg10 : memref<80x128xf32, #tpu.memory_space<vmem>>) target(%dma_start3A_35 : memref<80x128xf32, #tpu.memory_space<vmem_shared>>) target_semaphore(%run_scoped3A : memref<!tpu.dma_semaphore, #tpu.memory_space<semaphore_mem>>)
      %dma_wait3A = arith.constant 0 : i32
      %dma_wait3A_36 = tpu.memref_slice %arg11[%add3A_6, %dma_wait3A] : memref<10240x128xf32, #tpu.memory_space<vmem_shared>> -> memref<80x128xf32, #tpu.memory_space<vmem_shared>>
      %dma_wait3A_37 = arith.constant 0 : i32
      %dma_wait3A_38 = tpu.memref_slice %arg11[%add3A_6, %dma_wait3A_37] : memref<10240x128xf32, #tpu.memory_space<vmem_shared>> -> memref<80x128xf32, #tpu.memory_space<vmem_shared>>
      tpu.wait_dma2 semaphore(%run_scoped3A : memref<!tpu.dma_semaphore, #tpu.memory_space<semaphore_mem>>) src(%arg10 : memref<80x128xf32, #tpu.memory_space<vmem>>) dst(%dma_wait3A_38 : memref<80x128xf32, #tpu.memory_space<vmem_shared>>)
      tpu.yield
    }) : () -> ()
    %add3A_7 = arith.constant 80 : i32
    %add3A_8 = arith.addi %mul3A_5, %add3A_7 : i32
    "tpu.region"() ({
      %run_scoped3A = tpu.sem_alloc : memref<!tpu.dma_semaphore, #tpu.memory_space<semaphore_mem>>
      %dma_start3A = arith.constant 0 : i32
      %dma_start3A_33 = tpu.memref_slice %arg11[%add3A_8, %dma_start3A] : memref<10240x128xf32, #tpu.memory_space<vmem_shared>> -> memref<80x128xf32, #tpu.memory_space<vmem_shared>>
      %dma_start3A_34 = arith.constant 0 : i32
      %dma_start3A_35 = tpu.memref_slice %arg11[%add3A_8, %dma_start3A_34] : memref<10240x128xf32, #tpu.memory_space<vmem_shared>> -> memref<80x128xf32, #tpu.memory_space<vmem_shared>>
      tpu.enqueue_dma source(%arg10 : memref<80x128xf32, #tpu.memory_space<vmem>>) target(%dma_start3A_35 : memref<80x128xf32, #tpu.memory_space<vmem_shared>>) target_semaphore(%run_scoped3A : memref<!tpu.dma_semaphore, #tpu.memory_space<semaphore_mem>>)
      %dma_wait3A = arith.constant 0 : i32
      %dma_wait3A_36 = tpu.memref_slice %arg11[%add3A_8, %dma_wait3A] : memref<10240x128xf32, #tpu.memory_space<vmem_shared>> -> memref<80x128xf32, #tpu.memory_space<vmem_shared>>
      %dma_wait3A_37 = arith.constant 0 : i32
      %dma_wait3A_38 = tpu.memref_slice %arg11[%add3A_8, %dma_wait3A_37] : memref<10240x128xf32, #tpu.memory_space<vmem_shared>> -> memref<80x128xf32, #tpu.memory_space<vmem_shared>>
      tpu.wait_dma2 semaphore(%run_scoped3A : memref<!tpu.dma_semaphore, #tpu.memory_space<semaphore_mem>>) src(%arg10 : memref<80x128xf32, #tpu.memory_space<vmem>>) dst(%dma_wait3A_38 : memref<80x128xf32, #tpu.memory_space<vmem_shared>>)
      tpu.yield
    }) : () -> ()
    %add3A_9 = arith.constant 160 : i32
    %add3A_10 = arith.addi %mul3A_5, %add3A_9 : i32
    "tpu.region"() ({
      %run_scoped3A = tpu.sem_alloc : memref<!tpu.dma_semaphore, #tpu.memory_space<semaphore_mem>>
      %dma_start3A = arith.constant 0 : i32
      %dma_start3A_33 = tpu.memref_slice %arg11[%add3A_10, %dma_start3A] : memref<10240x128xf32, #tpu.memory_space<vmem_shared>> -> memref<80x128xf32, #tpu.memory_space<vmem_shared>>
      %dma_start3A_34 = arith.constant 0 : i32
      %dma_start3A_35 = tpu.memref_slice %arg11[%add3A_10, %dma_start3A_34] : memref<10240x128xf32, #tpu.memory_space<vmem_shared>> -> memref<80x128xf32, #tpu.memory_space<vmem_shared>>
      tpu.enqueue_dma source(%arg10 : memref<80x128xf32, #tpu.memory_space<vmem>>) target(%dma_start3A_35 : memref<80x128xf32, #tpu.memory_space<vmem_shared>>) target_semaphore(%run_scoped3A : memref<!tpu.dma_semaphore, #tpu.memory_space<semaphore_mem>>)
      %dma_wait3A = arith.constant 0 : i32
      %dma_wait3A_36 = tpu.memref_slice %arg11[%add3A_10, %dma_wait3A] : memref<10240x128xf32, #tpu.memory_space<vmem_shared>> -> memref<80x128xf32, #tpu.memory_space<vmem_shared>>
      %dma_wait3A_37 = arith.constant 0 : i32
      %dma_wait3A_38 = tpu.memref_slice %arg11[%add3A_10, %dma_wait3A_37] : memref<10240x128xf32, #tpu.memory_space<vmem_shared>> -> memref<80x128xf32, #tpu.memory_space<vmem_shared>>
      tpu.wait_dma2 semaphore(%run_scoped3A : memref<!tpu.dma_semaphore, #tpu.memory_space<semaphore_mem>>) src(%arg10 : memref<80x128xf32, #tpu.memory_space<vmem>>) dst(%dma_wait3A_38 : memref<80x128xf32, #tpu.memory_space<vmem_shared>>)
      tpu.yield
    }) : () -> ()
    %add3A_11 = arith.constant 240 : i32
    %add3A_12 = arith.addi %mul3A_5, %add3A_11 : i32
    "tpu.region"() ({
      %run_scoped3A = tpu.sem_alloc : memref<!tpu.dma_semaphore, #tpu.memory_space<semaphore_mem>>
      %dma_start3A = arith.constant 0 : i32
      %dma_start3A_33 = tpu.memref_slice %arg11[%add3A_12, %dma_start3A] : memref<10240x128xf32, #tpu.memory_space<vmem_shared>> -> memref<80x128xf32, #tpu.memory_space<vmem_shared>>
      %dma_start3A_34 = arith.constant 0 : i32
      %dma_start3A_35 = tpu.memref_slice %arg11[%add3A_12, %dma_start3A_34] : memref<10240x128xf32, #tpu.memory_space<vmem_shared>> -> memref<80x128xf32, #tpu.memory_space<vmem_shared>>
      tpu.enqueue_dma source(%arg10 : memref<80x128xf32, #tpu.memory_space<vmem>>) target(%dma_start3A_35 : memref<80x128xf32, #tpu.memory_space<vmem_shared>>) target_semaphore(%run_scoped3A : memref<!tpu.dma_semaphore, #tpu.memory_space<semaphore_mem>>)
      %dma_wait3A = arith.constant 0 : i32
      %dma_wait3A_36 = tpu.memref_slice %arg11[%add3A_12, %dma_wait3A] : memref<10240x128xf32, #tpu.memory_space<vmem_shared>> -> memref<80x128xf32, #tpu.memory_space<vmem_shared>>
      %dma_wait3A_37 = arith.constant 0 : i32
      %dma_wait3A_38 = tpu.memref_slice %arg11[%add3A_12, %dma_wait3A_37] : memref<10240x128xf32, #tpu.memory_space<vmem_shared>> -> memref<80x128xf32, #tpu.memory_space<vmem_shared>>
      tpu.wait_dma2 semaphore(%run_scoped3A : memref<!tpu.dma_semaphore, #tpu.memory_space<semaphore_mem>>) src(%arg10 : memref<80x128xf32, #tpu.memory_space<vmem>>) dst(%dma_wait3A_38 : memref<80x128xf32, #tpu.memory_space<vmem_shared>>)
      tpu.yield
    }) : () -> ()
    %add3A_13 = arith.constant 320 : i32
    %add3A_14 = arith.addi %mul3A_5, %add3A_13 : i32
    "tpu.region"() ({
      %run_scoped3A = tpu.sem_alloc : memref<!tpu.dma_semaphore, #tpu.memory_space<semaphore_mem>>
      %dma_start3A = arith.constant 0 : i32
      %dma_start3A_33 = tpu.memref_slice %arg11[%add3A_14, %dma_start3A] : memref<10240x128xf32, #tpu.memory_space<vmem_shared>> -> memref<80x128xf32, #tpu.memory_space<vmem_shared>>
      %dma_start3A_34 = arith.constant 0 : i32
      %dma_start3A_35 = tpu.memref_slice %arg11[%add3A_14, %dma_start3A_34] : memref<10240x128xf32, #tpu.memory_space<vmem_shared>> -> memref<80x128xf32, #tpu.memory_space<vmem_shared>>
      tpu.enqueue_dma source(%arg10 : memref<80x128xf32, #tpu.memory_space<vmem>>) target(%dma_start3A_35 : memref<80x128xf32, #tpu.memory_space<vmem_shared>>) target_semaphore(%run_scoped3A : memref<!tpu.dma_semaphore, #tpu.memory_space<semaphore_mem>>)
      %dma_wait3A = arith.constant 0 : i32
      %dma_wait3A_36 = tpu.memref_slice %arg11[%add3A_14, %dma_wait3A] : memref<10240x128xf32, #tpu.memory_space<vmem_shared>> -> memref<80x128xf32, #tpu.memory_space<vmem_shared>>
      %dma_wait3A_37 = arith.constant 0 : i32
      %dma_wait3A_38 = tpu.memref_slice %arg11[%add3A_14, %dma_wait3A_37] : memref<10240x128xf32, #tpu.memory_space<vmem_shared>> -> memref<80x128xf32, #tpu.memory_space<vmem_shared>>
      tpu.wait_dma2 semaphore(%run_scoped3A : memref<!tpu.dma_semaphore, #tpu.memory_space<semaphore_mem>>) src(%arg10 : memref<80x128xf32, #tpu.memory_space<vmem>>) dst(%dma_wait3A_38 : memref<80x128xf32, #tpu.memory_space<vmem_shared>>)
      tpu.yield
    }) : () -> ()
    %add3A_15 = arith.constant 400 : i32
    %add3A_16 = arith.addi %mul3A_5, %add3A_15 : i32
    "tpu.region"() ({
      %run_scoped3A = tpu.sem_alloc : memref<!tpu.dma_semaphore, #tpu.memory_space<semaphore_mem>>
      %dma_start3A = arith.constant 0 : i32
      %dma_start3A_33 = tpu.memref_slice %arg11[%add3A_16, %dma_start3A] : memref<10240x128xf32, #tpu.memory_space<vmem_shared>> -> memref<80x128xf32, #tpu.memory_space<vmem_shared>>
      %dma_start3A_34 = arith.constant 0 : i32
      %dma_start3A_35 = tpu.memref_slice %arg11[%add3A_16, %dma_start3A_34] : memref<10240x128xf32, #tpu.memory_space<vmem_shared>> -> memref<80x128xf32, #tpu.memory_space<vmem_shared>>
      tpu.enqueue_dma source(%arg10 : memref<80x128xf32, #tpu.memory_space<vmem>>) target(%dma_start3A_35 : memref<80x128xf32, #tpu.memory_space<vmem_shared>>) target_semaphore(%run_scoped3A : memref<!tpu.dma_semaphore, #tpu.memory_space<semaphore_mem>>)
      %dma_wait3A = arith.constant 0 : i32
      %dma_wait3A_36 = tpu.memref_slice %arg11[%add3A_16, %dma_wait3A] : memref<10240x128xf32, #tpu.memory_space<vmem_shared>> -> memref<80x128xf32, #tpu.memory_space<vmem_shared>>
      %dma_wait3A_37 = arith.constant 0 : i32
      %dma_wait3A_38 = tpu.memref_slice %arg11[%add3A_16, %dma_wait3A_37] : memref<10240x128xf32, #tpu.memory_space<vmem_shared>> -> memref<80x128xf32, #tpu.memory_space<vmem_shared>>
      tpu.wait_dma2 semaphore(%run_scoped3A : memref<!tpu.dma_semaphore, #tpu.memory_space<semaphore_mem>>) src(%arg10 : memref<80x128xf32, #tpu.memory_space<vmem>>) dst(%dma_wait3A_38 : memref<80x128xf32, #tpu.memory_space<vmem_shared>>)
      tpu.yield
    }) : () -> ()
    %add3A_17 = arith.constant 480 : i32
    %add3A_18 = arith.addi %mul3A_5, %add3A_17 : i32
    "tpu.region"() ({
      %run_scoped3A = tpu.sem_alloc : memref<!tpu.dma_semaphore, #tpu.memory_space<semaphore_mem>>
      %dma_start3A = arith.constant 0 : i32
      %dma_start3A_33 = tpu.memref_slice %arg11[%add3A_18, %dma_start3A] : memref<10240x128xf32, #tpu.memory_space<vmem_shared>> -> memref<80x128xf32, #tpu.memory_space<vmem_shared>>
      %dma_start3A_34 = arith.constant 0 : i32
      %dma_start3A_35 = tpu.memref_slice %arg11[%add3A_18, %dma_start3A_34] : memref<10240x128xf32, #tpu.memory_space<vmem_shared>> -> memref<80x128xf32, #tpu.memory_space<vmem_shared>>
      tpu.enqueue_dma source(%arg10 : memref<80x128xf32, #tpu.memory_space<vmem>>) target(%dma_start3A_35 : memref<80x128xf32, #tpu.memory_space<vmem_shared>>) target_semaphore(%run_scoped3A : memref<!tpu.dma_semaphore, #tpu.memory_space<semaphore_mem>>)
      %dma_wait3A = arith.constant 0 : i32
      %dma_wait3A_36 = tpu.memref_slice %arg11[%add3A_18, %dma_wait3A] : memref<10240x128xf32, #tpu.memory_space<vmem_shared>> -> memref<80x128xf32, #tpu.memory_space<vmem_shared>>
      %dma_wait3A_37 = arith.constant 0 : i32
      %dma_wait3A_38 = tpu.memref_slice %arg11[%add3A_18, %dma_wait3A_37] : memref<10240x128xf32, #tpu.memory_space<vmem_shared>> -> memref<80x128xf32, #tpu.memory_space<vmem_shared>>
      tpu.wait_dma2 semaphore(%run_scoped3A : memref<!tpu.dma_semaphore, #tpu.memory_space<semaphore_mem>>) src(%arg10 : memref<80x128xf32, #tpu.memory_space<vmem>>) dst(%dma_wait3A_38 : memref<80x128xf32, #tpu.memory_space<vmem_shared>>)
      tpu.yield
    }) : () -> ()
    %add3A_19 = arith.constant 560 : i32
    %add3A_20 = arith.addi %mul3A_5, %add3A_19 : i32
    "tpu.region"() ({
      %run_scoped3A = tpu.sem_alloc : memref<!tpu.dma_semaphore, #tpu.memory_space<semaphore_mem>>
      %dma_start3A = arith.constant 0 : i32
      %dma_start3A_33 = tpu.memref_slice %arg11[%add3A_20, %dma_start3A] : memref<10240x128xf32, #tpu.memory_space<vmem_shared>> -> memref<80x128xf32, #tpu.memory_space<vmem_shared>>
      %dma_start3A_34 = arith.constant 0 : i32
      %dma_start3A_35 = tpu.memref_slice %arg11[%add3A_20, %dma_start3A_34] : memref<10240x128xf32, #tpu.memory_space<vmem_shared>> -> memref<80x128xf32, #tpu.memory_space<vmem_shared>>
      tpu.enqueue_dma source(%arg10 : memref<80x128xf32, #tpu.memory_space<vmem>>) target(%dma_start3A_35 : memref<80x128xf32, #tpu.memory_space<vmem_shared>>) target_semaphore(%run_scoped3A : memref<!tpu.dma_semaphore, #tpu.memory_space<semaphore_mem>>)
      %dma_wait3A = arith.constant 0 : i32
      %dma_wait3A_36 = tpu.memref_slice %arg11[%add3A_20, %dma_wait3A] : memref<10240x128xf32, #tpu.memory_space<vmem_shared>> -> memref<80x128xf32, #tpu.memory_space<vmem_shared>>
      %dma_wait3A_37 = arith.constant 0 : i32
      %dma_wait3A_38 = tpu.memref_slice %arg11[%add3A_20, %dma_wait3A_37] : memref<10240x128xf32, #tpu.memory_space<vmem_shared>> -> memref<80x128xf32, #tpu.memory_space<vmem_shared>>
      tpu.wait_dma2 semaphore(%run_scoped3A : memref<!tpu.dma_semaphore, #tpu.memory_space<semaphore_mem>>) src(%arg10 : memref<80x128xf32, #tpu.memory_space<vmem>>) dst(%dma_wait3A_38 : memref<80x128xf32, #tpu.memory_space<vmem_shared>>)
      tpu.yield
    }) : () -> ()
    %barrier3A = arith.constant 0 : index
    tpu.barrier barrier_id(%barrier3A)
    %mul3A_21 = arith.constant 2 : i32
    %mul3A_22 = arith.muli %arg1, %mul3A_21 : i32
    %add3A_23 = arith.addi %mul3A_22, %arg0 : i32
    %mul3A_24 = arith.constant 10000 : i32
    %mul3A_25 = arith.muli %add3A_23, %mul3A_24 : i32
    %scan3A_26 = arith.constant 0 : i32
    %scan3A_27 = arith.constant 0 : i32
    %scan3A_28 = arith.constant 125 : i32
    %scan3A_29 = arith.addi %scan3A_27, %scan3A_28 : i32
    %scan3A_30 = arith.constant 1 : i32
    scf.for %scan3A_33 = %scan3A_27 to %scan3A_29 step %scan3A_30  : i32 {
      %mul3A_34 = arith.constant 80 : i32
      %mul3A_35 = arith.muli %scan3A_33, %mul3A_34 : i32
      %add3A_36 = arith.addi %mul3A_25, %mul3A_35 : i32
      "tpu.region"() ({
        %run_scoped3A = tpu.sem_alloc : memref<!tpu.dma_semaphore, #tpu.memory_space<semaphore_mem>>
        %dma_start3A_47 = tpu.memref_slice %arg3[%add3A_36] : memref<320000xi32, #tpu.memory_space<hbm>> -> memref<80xi32, #tpu.memory_space<hbm>>
        %dma_start3A_48 = tpu.memref_slice %arg3[%add3A_36] : memref<320000xi32, #tpu.memory_space<hbm>> -> memref<80xi32, #tpu.memory_space<hbm>>
        tpu.enqueue_dma source(%dma_start3A_48 : memref<80xi32, #tpu.memory_space<hbm>>) target(%arg7 : memref<80xi32, #tpu.memory_space<vmem>>) target_semaphore(%run_scoped3A : memref<!tpu.dma_semaphore, #tpu.memory_space<semaphore_mem>>)
        %dma_wait3A_49 = tpu.memref_slice %arg3[%add3A_36] : memref<320000xi32, #tpu.memory_space<hbm>> -> memref<80xi32, #tpu.memory_space<hbm>>
        %dma_wait3A_50 = tpu.memref_slice %arg3[%add3A_36] : memref<320000xi32, #tpu.memory_space<hbm>> -> memref<80xi32, #tpu.memory_space<hbm>>
        tpu.wait_dma2 semaphore(%run_scoped3A : memref<!tpu.dma_semaphore, #tpu.memory_space<semaphore_mem>>) src(%dma_wait3A_50 : memref<80xi32, #tpu.memory_space<hbm>>) dst(%arg7 : memref<80xi32, #tpu.memory_space<vmem>>)
        tpu.yield
      }) : () -> ()
      "tpu.region"() ({
        %run_scoped3A = tpu.sem_alloc : memref<!tpu.dma_semaphore, #tpu.memory_space<semaphore_mem>>
        %dma_start3A_47 = tpu.memref_slice %arg4[%add3A_36] : memref<320000xi32, #tpu.memory_space<hbm>> -> memref<80xi32, #tpu.memory_space<hbm>>
        %dma_start3A_48 = tpu.memref_slice %arg4[%add3A_36] : memref<320000xi32, #tpu.memory_space<hbm>> -> memref<80xi32, #tpu.memory_space<hbm>>
        tpu.enqueue_dma source(%dma_start3A_48 : memref<80xi32, #tpu.memory_space<hbm>>) target(%arg8 : memref<80xi32, #tpu.memory_space<vmem>>) target_semaphore(%run_scoped3A : memref<!tpu.dma_semaphore, #tpu.memory_space<semaphore_mem>>)
        %dma_wait3A_49 = tpu.memref_slice %arg4[%add3A_36] : memref<320000xi32, #tpu.memory_space<hbm>> -> memref<80xi32, #tpu.memory_space<hbm>>
        %dma_wait3A_50 = tpu.memref_slice %arg4[%add3A_36] : memref<320000xi32, #tpu.memory_space<hbm>> -> memref<80xi32, #tpu.memory_space<hbm>>
        tpu.wait_dma2 semaphore(%run_scoped3A : memref<!tpu.dma_semaphore, #tpu.memory_space<semaphore_mem>>) src(%dma_wait3A_50 : memref<80xi32, #tpu.memory_space<hbm>>) dst(%arg8 : memref<80xi32, #tpu.memory_space<vmem>>)
        tpu.yield
      }) : () -> ()
      "tpu.region"() ({
        %run_scoped3A = tpu.sem_alloc : memref<!tpu.dma_semaphore, #tpu.memory_space<semaphore_mem>>
        %dma_start3A_47 = tpu.memref_slice %arg5[%add3A_36] : memref<320000xf32, #tpu.memory_space<hbm>> -> memref<80xf32, #tpu.memory_space<hbm>>
        %dma_start3A_48 = tpu.memref_slice %arg5[%add3A_36] : memref<320000xf32, #tpu.memory_space<hbm>> -> memref<80xf32, #tpu.memory_space<hbm>>
        tpu.enqueue_dma source(%dma_start3A_48 : memref<80xf32, #tpu.memory_space<hbm>>) target(%arg9 : memref<80xf32, #tpu.memory_space<vmem>>) target_semaphore(%run_scoped3A : memref<!tpu.dma_semaphore, #tpu.memory_space<semaphore_mem>>)
        %dma_wait3A_49 = tpu.memref_slice %arg5[%add3A_36] : memref<320000xf32, #tpu.memory_space<hbm>> -> memref<80xf32, #tpu.memory_space<hbm>>
        %dma_wait3A_50 = tpu.memref_slice %arg5[%add3A_36] : memref<320000xf32, #tpu.memory_space<hbm>> -> memref<80xf32, #tpu.memory_space<hbm>>
        tpu.wait_dma2 semaphore(%run_scoped3A : memref<!tpu.dma_semaphore, #tpu.memory_space<semaphore_mem>>) src(%dma_wait3A_50 : memref<80xf32, #tpu.memory_space<hbm>>) dst(%arg9 : memref<80xf32, #tpu.memory_space<vmem>>)
        tpu.yield
      }) : () -> ()
      %dma_start3A = arith.constant 0 : i32
      %dma_start3A_37 = arith.constant 0 : i32
      %dma_start3A_38 = tpu.memref_slice %arg2[%dma_start3A, %dma_start3A_37] : memref<10000x128xf32, #tpu.memory_space<hbm>> -> memref<10000x128xf32, #tpu.memory_space<hbm>>
      tpu.enqueue_indirect_dma source(%dma_start3A_38 : memref<10000x128xf32, #tpu.memory_space<hbm>>) target(%arg10 : memref<80x128xf32, #tpu.memory_space<vmem>>) offsets(%arg7 : memref<80xi32, #tpu.memory_space<vmem>>) semaphore(%arg12 : memref<!tpu.dma_semaphore, #tpu.memory_space<semaphore_mem>>)
      %dma_wait3A = arith.constant 0 : i32
      %dma_wait3A_39 = arith.constant 0 : i32
      %dma_wait3A_40 = tpu.memref_slice %arg2[%dma_wait3A, %dma_wait3A_39] : memref<10000x128xf32, #tpu.memory_space<hbm>> -> memref<10000x128xf32, #tpu.memory_space<hbm>>
      tpu.wait_indirect_dma semaphore(%arg12 : memref<!tpu.dma_semaphore, #tpu.memory_space<semaphore_mem>>) src(%dma_wait3A_40 : memref<10000x128xf32, #tpu.memory_space<hbm>>) dst(%arg10 : memref<80x128xf32, #tpu.memory_space<vmem>>)
      %scan3A_41 = arith.constant 0 : i32
      %scan3A_42 = arith.constant 0 : i32
      %scan3A_43 = arith.constant 80 : i32
      %scan3A_44 = arith.addi %scan3A_42, %scan3A_43 : i32
      %scan3A_45 = arith.constant 1 : i32
      scf.for %scan3A_47 = %scan3A_42 to %scan3A_44 step %scan3A_45  : i32 {
        %broadcast_in_dim3A = arith.constant 0 : i32
        %broadcast_in_dim3A_48 = vector.broadcast %broadcast_in_dim3A : i32 to vector<16xi32>
        %add3A_49 = vector.broadcast %scan3A_47 : i32 to vector<16xi32>
        %add3A_50 = arith.addi %broadcast_in_dim3A_48, %add3A_49 : vector<16xi32>
        %gather3A = tpu.vector_load_idx %arg9[%add3A_50] : memref<80xf32, #tpu.memory_space<vmem>>[vector<16xi32>], vector<16xf32>,
        %get3A = arith.index_cast %scan3A_47 : i32 to index
        %get3A_51 = arith.constant 0 : index
        %get3A_52 = tpu.vector_load %arg10[%get3A, %get3A_51] {strides = array<i32>} : memref<80x128xf32, #tpu.memory_space<vmem>>, vector<16xf32>,
        %mul3A_53 = arith.mulf %get3A_52, %gather3A : vector<16xf32>
        %swap3A = arith.index_cast %scan3A_47 : i32 to index
        %swap3A_54 = arith.constant 0 : index
        %swap3A_55 = tpu.vector_load %arg10[%swap3A, %swap3A_54] {strides = array<i32>} : memref<80x128xf32, #tpu.memory_space<vmem>>, vector<16xf32>,
        tpu.vector_store %arg10[%swap3A, %swap3A_54], %mul3A_53 {strides = array<i32>} : memref<80x128xf32, #tpu.memory_space<vmem>>, vector<16xf32>,
        %get3A_56 = arith.index_cast %scan3A_47 : i32 to index
        %get3A_57 = arith.constant 16 : index
        %get3A_58 = tpu.vector_load %arg10[%get3A_56, %get3A_57] {strides = array<i32>} : memref<80x128xf32, #tpu.memory_space<vmem>>, vector<16xf32>,
        %mul3A_59 = arith.mulf %get3A_58, %gather3A : vector<16xf32>
        %swap3A_60 = arith.index_cast %scan3A_47 : i32 to index
        %swap3A_61 = arith.constant 16 : index
        %swap3A_62 = tpu.vector_load %arg10[%swap3A_60, %swap3A_61] {strides = array<i32>} : memref<80x128xf32, #tpu.memory_space<vmem>>, vector<16xf32>,
        tpu.vector_store %arg10[%swap3A_60, %swap3A_61], %mul3A_59 {strides = array<i32>} : memref<80x128xf32, #tpu.memory_space<vmem>>, vector<16xf32>,
        %get3A_63 = arith.index_cast %scan3A_47 : i32 to index
        %get3A_64 = arith.constant 32 : index
        %get3A_65 = tpu.vector_load %arg10[%get3A_63, %get3A_64] {strides = array<i32>} : memref<80x128xf32, #tpu.memory_space<vmem>>, vector<16xf32>,
        %mul3A_66 = arith.mulf %get3A_65, %gather3A : vector<16xf32>
        %swap3A_67 = arith.index_cast %scan3A_47 : i32 to index
        %swap3A_68 = arith.constant 32 : index
        %swap3A_69 = tpu.vector_load %arg10[%swap3A_67, %swap3A_68] {strides = array<i32>} : memref<80x128xf32, #tpu.memory_space<vmem>>, vector<16xf32>,
        tpu.vector_store %arg10[%swap3A_67, %swap3A_68], %mul3A_66 {strides = array<i32>} : memref<80x128xf32, #tpu.memory_space<vmem>>, vector<16xf32>,
        %get3A_70 = arith.index_cast %scan3A_47 : i32 to index
        %get3A_71 = arith.constant 48 : index
        %get3A_72 = tpu.vector_load %arg10[%get3A_70, %get3A_71] {strides = array<i32>} : memref<80x128xf32, #tpu.memory_space<vmem>>, vector<16xf32>,
        %mul3A_73 = arith.mulf %get3A_72, %gather3A : vector<16xf32>
        %swap3A_74 = arith.index_cast %scan3A_47 : i32 to index
        %swap3A_75 = arith.constant 48 : index
        %swap3A_76 = tpu.vector_load %arg10[%swap3A_74, %swap3A_75] {strides = array<i32>} : memref<80x128xf32, #tpu.memory_space<vmem>>, vector<16xf32>,
        tpu.vector_store %arg10[%swap3A_74, %swap3A_75], %mul3A_73 {strides = array<i32>} : memref<80x128xf32, #tpu.memory_space<vmem>>, vector<16xf32>,
        %get3A_77 = arith.index_cast %scan3A_47 : i32 to index
        %get3A_78 = arith.constant 64 : index
        %get3A_79 = tpu.vector_load %arg10[%get3A_77, %get3A_78] {strides = array<i32>} : memref<80x128xf32, #tpu.memory_space<vmem>>, vector<16xf32>,
        %mul3A_80 = arith.mulf %get3A_79, %gather3A : vector<16xf32>
        %swap3A_81 = arith.index_cast %scan3A_47 : i32 to index
        %swap3A_82 = arith.constant 64 : index
        %swap3A_83 = tpu.vector_load %arg10[%swap3A_81, %swap3A_82] {strides = array<i32>} : memref<80x128xf32, #tpu.memory_space<vmem>>, vector<16xf32>,
        tpu.vector_store %arg10[%swap3A_81, %swap3A_82], %mul3A_80 {strides = array<i32>} : memref<80x128xf32, #tpu.memory_space<vmem>>, vector<16xf32>,
        %get3A_84 = arith.index_cast %scan3A_47 : i32 to index
        %get3A_85 = arith.constant 80 : index
        %get3A_86 = tpu.vector_load %arg10[%get3A_84, %get3A_85] {strides = array<i32>} : memref<80x128xf32, #tpu.memory_space<vmem>>, vector<16xf32>,
        %mul3A_87 = arith.mulf %get3A_86, %gather3A : vector<16xf32>
        %swap3A_88 = arith.index_cast %scan3A_47 : i32 to index
        %swap3A_89 = arith.constant 80 : index
        %swap3A_90 = tpu.vector_load %arg10[%swap3A_88, %swap3A_89] {strides = array<i32>} : memref<80x128xf32, #tpu.memory_space<vmem>>, vector<16xf32>,
        tpu.vector_store %arg10[%swap3A_88, %swap3A_89], %mul3A_87 {strides = array<i32>} : memref<80x128xf32, #tpu.memory_space<vmem>>, vector<16xf32>,
        %get3A_91 = arith.index_cast %scan3A_47 : i32 to index
        %get3A_92 = arith.constant 96 : index
        %get3A_93 = tpu.vector_load %arg10[%get3A_91, %get3A_92] {strides = array<i32>} : memref<80x128xf32, #tpu.memory_space<vmem>>, vector<16xf32>,
        %mul3A_94 = arith.mulf %get3A_93, %gather3A : vector<16xf32>
        %swap3A_95 = arith.index_cast %scan3A_47 : i32 to index
        %swap3A_96 = arith.constant 96 : index
        %swap3A_97 = tpu.vector_load %arg10[%swap3A_95, %swap3A_96] {strides = array<i32>} : memref<80x128xf32, #tpu.memory_space<vmem>>, vector<16xf32>,
        tpu.vector_store %arg10[%swap3A_95, %swap3A_96], %mul3A_94 {strides = array<i32>} : memref<80x128xf32, #tpu.memory_space<vmem>>, vector<16xf32>,
        %get3A_98 = arith.index_cast %scan3A_47 : i32 to index
        %get3A_99 = arith.constant 112 : index
        %get3A_100 = tpu.vector_load %arg10[%get3A_98, %get3A_99] {strides = array<i32>} : memref<80x128xf32, #tpu.memory_space<vmem>>, vector<16xf32>,
        %mul3A_101 = arith.mulf %get3A_100, %gather3A : vector<16xf32>
        %swap3A_102 = arith.index_cast %scan3A_47 : i32 to index
        %swap3A_103 = arith.constant 112 : index
        %swap3A_104 = tpu.vector_load %arg10[%swap3A_102, %swap3A_103] {strides = array<i32>} : memref<80x128xf32, #tpu.memory_space<vmem>>, vector<16xf32>,
        tpu.vector_store %arg10[%swap3A_102, %swap3A_103], %mul3A_101 {strides = array<i32>} : memref<80x128xf32, #tpu.memory_space<vmem>>, vector<16xf32>,
      }
      %scan3A_46 = arith.constant 80 : i32
      "tpu.region"() ({
        %run_scoped3A = tpu.sem_alloc : memref<!tpu.dma_semaphore, #tpu.memory_space<semaphore_mem>>
        %dma_start3A_47 = arith.constant 0 : i32
        %dma_start3A_48 = arith.constant 0 : i32
        %dma_start3A_49 = tpu.memref_slice %arg11[%dma_start3A_47, %dma_start3A_48] : memref<10240x128xf32, #tpu.memory_space<vmem_shared>> -> memref<10240x128xf32, #tpu.memory_space<vmem_shared>>
        tpu.enqueue_indirect_dma source(%arg10 : memref<80x128xf32, #tpu.memory_space<vmem>>) target(%dma_start3A_49 : memref<10240x128xf32, #tpu.memory_space<vmem_shared>>) offsets(%arg8 : memref<80xi32, #tpu.memory_space<vmem>>) semaphore(%run_scoped3A : memref<!tpu.dma_semaphore, #tpu.memory_space<semaphore_mem>>) {add = true}
        %dma_wait3A_50 = arith.constant 0 : i32
        %dma_wait3A_51 = arith.constant 0 : i32
        %dma_wait3A_52 = tpu.memref_slice %arg11[%dma_wait3A_50, %dma_wait3A_51] : memref<10240x128xf32, #tpu.memory_space<vmem_shared>> -> memref<10240x128xf32, #tpu.memory_space<vmem_shared>>
        tpu.wait_indirect_dma semaphore(%run_scoped3A : memref<!tpu.dma_semaphore, #tpu.memory_space<semaphore_mem>>) src(%arg10 : memref<80x128xf32, #tpu.memory_space<vmem>>) dst(%dma_wait3A_52 : memref<10240x128xf32, #tpu.memory_space<vmem_shared>>)
        tpu.yield
      }) : () -> ()
    }
    %scan3A_31 = arith.constant 125 : i32
    %barrier3A_32 = arith.constant 0 : index
    tpu.barrier barrier_id(%barrier3A_32)
    "tpu.region"() ({
      %run_scoped3A = tpu.sem_alloc : memref<!tpu.dma_semaphore, #tpu.memory_space<semaphore_mem>>
      %dma_start3A = arith.constant 0 : i32
      %dma_start3A_33 = tpu.memref_slice %arg6[%arg0, %mul3A_5, %dma_start3A] : memref<2x10240x128xf32, #tpu.memory_space<hbm>> -> memref<1x640x128xf32, #tpu.memory_space<hbm>>
      %dma_start3A_34 = tpu.memref_squeeze %dma_start3A_33 : memref<1x640x128xf32, #tpu.memory_space<hbm>> -> memref<640x128xf32, #tpu.memory_space<hbm>>
      %dma_start3A_35 = arith.constant 0 : i32
      %dma_start3A_36 = tpu.memref_slice %arg11[%mul3A_5, %dma_start3A_35] : memref<10240x128xf32, #tpu.memory_space<vmem_shared>> -> memref<640x128xf32, #tpu.memory_space<vmem_shared>>
      tpu.enqueue_dma source(%dma_start3A_36 : memref<640x128xf32, #tpu.memory_space<vmem_shared>>) target(%dma_start3A_34 : memref<640x128xf32, #tpu.memory_space<hbm>>) target_semaphore(%run_scoped3A : memref<!tpu.dma_semaphore, #tpu.memory_space<semaphore_mem>>)
      %dma_wait3A = arith.constant 0 : i32
      %dma_wait3A_37 = tpu.memref_slice %arg6[%arg0, %mul3A_5, %dma_wait3A] : memref<2x10240x128xf32, #tpu.memory_space<hbm>> -> memref<1x640x128xf32, #tpu.memory_space<hbm>>
      %dma_wait3A_38 = tpu.memref_squeeze %dma_wait3A_37 : memref<1x640x128xf32, #tpu.memory_space<hbm>> -> memref<640x128xf32, #tpu.memory_space<hbm>>
      %dma_wait3A_39 = arith.constant 0 : i32
      %dma_wait3A_40 = tpu.memref_slice %arg11[%mul3A_5, %dma_wait3A_39] : memref<10240x128xf32, #tpu.memory_space<vmem_shared>> -> memref<640x128xf32, #tpu.memory_space<vmem_shared>>
      tpu.wait_dma2 semaphore(%run_scoped3A : memref<!tpu.dma_semaphore, #tpu.memory_space<semaphore_mem>>) src(%dma_wait3A_40 : memref<640x128xf32, #tpu.memory_space<vmem_shared>>) dst(%dma_wait3A_38 : memref<640x128xf32, #tpu.memory_space<hbm>>)
      tpu.yield
    }) : () -> ()
    return
  }
}

</mosaic_0001>

<sc_bundles>
// kernel: _spmm.3.cloned.1.call-start
scs
__scs_entry_jumppad:
0x0: {  	(pc) =	sbr.rel $0x88, $3  }
0x1: {  	(tag) =	ssettag $0x0;
	lr =	simm.s32 $0x1  }
0x2: {  	[smem:$0x3F9D] =	sst lr;
	_ =	strace $0xD0000000  }
0x3: {  	_ = 	snop  }
0x4: {  	_ = 	snop  }
0x5: {  	_ = 	snop  }
0x6: {  	_ = 	snop  }
0x7: {  	_ = 	snop  }
__scs_overlays_trampoline_lowered:
0x8: {  	[smem:$0x3FAC] =	sst s0  }
0x9: {  	[smem:$0x3FAD] =	sst s1  }
0xa: {  	[smem:$0x3FAE] =	sst s2  }
0xb: {  	[smem:$0x3FAF] =	sst s3  }
0xc: {  	[smem:$0x3FB0] =	sst s4  }
0xd: {  	[smem:$0x3FB1] =	sst s5  }
0xe: {  	[smem:$0x3FB2] =	sst s6  }
0xf: {  	[smem:$0x3FB3] =	sst s7  }
0x10: {  	[smem:$0x3FB4] =	sst s8  }
0x11: {  	[smem:$0x3FB5] =	sst s9;
	s0 =	simm.s32 @!p0 $0x0  }
0x12: {  	s1 =	sld [smem:$0x3F9B];
	s0 =	simm.s32 @p0 $0x1  }
0x13: {  	[smem:$0x3FB6] =	sst s0;
	s0 =	simm.s32 @!p1 $0x0  }
0x14: {  	s2 =	sld [smem:$0x3F9A];
	s0 =	simm.s32 @p1 $0x1  }
0x15: {  	[smem:$0x3FB7] =	sst s0;
	s0 =	simm.s32 @!p2 $0x0  }
0x16: {  	s3 =	sld [smem:$0x3FDB];
	s0 =	simm.s32 @p2 $0x1  }
0x17: {  	s4 =	simm.s32 $0x1BF5;
	[smem:$0x3FB9] =	sst s0  }
0x18: {  	s0 =	sld [smem:$0x3F9C];
	_ =	swait.ge [sflag:s4], $0x0  }
0x19: {  	s7 =	sld [smem:$0x3F9D]  }
0x1a: {  	s8 =	sadd.s32 $0xFFFFE003, lr  }
0x1b: {  	s9 =	sadd.s32 $0xFFFFFEF7, lr;
	s5 =	simm.s32 $0xFFFFFFFF;
	p2 =	slt.u32 s8, $0xFFFFF086  }
0x1c: {  	p1 =	slt.u32 s9, $0xF7A;
	s5 =	simm.s32 @!p2 $0x0  }
0x1d: {  	s5 =	simm.s32 @p1 $0x1;
	p0 =	seq.s32 s7, s2  }
0x1e: {  	s7 =	smul.u32 @!p0 $0xF7A, s2;
	p2 =	seq.s32 @!p0 s5, $0x0  }
0x1f: {  	s9 =	smul.u32 $0xF7A, s1;
	s8 =	simm.s32 @!p0 $0x1BF5;
	p2 =	por !p2, p0  }
0x20: {  	[sflag:s8] =	ssyncset.s32 @!p0 $0xFFFFF086;
	s6 =	sadd.s32 @!p0 s3, s7;
	s7 =	simm.s32 @!p0 $0x108  }
0x21: {  	s3 =	sadd.s32 s3, s9;
	s6 =	sadd.s32 @!p0 $0x88, s6;
	s7 =	simm.s32 @p2 $0x1082  }
0x22: {  	[simem:s7], [sflag:s8] =	dma.local @!p0 [hbm:s6], $0xF7A  }
0x23: {  	s9 =	sor.u32 $0xD0000000, s2;
	s6 =	simm.s32 $0x108;
	_ =	swait.ge @!p0 [sflag:s8], $0x0  }
0x24: {  	s3 =	sadd.s32 $0x88, s3;
	s6 =	simm.s32 @!p1 $0x1082;
	[sflag:s4] =	ssyncset.s32 $0xFFFFF086  }
0x25: {  	[simem:s6], [sflag:s4] =	dma.local [hbm:s3], $0xF7A  }
0x26: {  	[smem:$0x3F9D] =	sst s1;
	(tag) =	ssettag s2;
	_ =	strace s9  }
0x27: {  	s1 =	sld [smem:$0x3FAD]  }
0x28: {  	s2 =	sld [smem:$0x3FAE]  }
0x29: {  	s4 =	sld [smem:$0x3FB0]  }
0x2a: {  	p0 =	seq.s32 s5, $0x0;
	s5 =	sld [smem:$0x3FB1]  }
0x2b: {  	s6 =	sld [smem:$0x3FB2]  }
0x2c: {  	s7 =	sld [smem:$0x3FB3]  }
0x2d: {  	s3 =	simm.s32 $0x108;
	s8 =	sld [smem:$0x3FB4]  }
0x2e: {  	s3 =	simm.s32 @!p0 $0x1082;
	s9 =	sld [smem:$0x3FB5]  }
0x2f: {  	lr =	sadd.s32 s0, s3;
	s0 =	sld [smem:$0x3FAC]  }
0x30: {  	s3 =	sld [smem:$0x3FAF]  }
0x31: {  	[smem:$0x3FB8] =	sst s10  }
0x32: {  	s10 =	sld [smem:$0x3FB6];
	_ =	sdelay $0x3  }
0x33: {  	p0 =	seq.s32 s10, $0x1;
	s10 =	sld [smem:$0x3FB8];
	_ =	sdelay $0x3  }
0x34: {  	[smem:$0x3FB8] =	sst s10  }
0x35: {  	s10 =	sld [smem:$0x3FB7];
	_ =	sdelay $0x3  }
0x36: {  	p1 =	seq.s32 s10, $0x1;
	s10 =	sld [smem:$0x3FB8];
	_ =	sdelay $0x3  }
0x37: {  	[smem:$0x3FB8] =	sst s10  }
0x38: {  	s10 =	sld [smem:$0x3FB9]  }
0x39: {  	_ = 	snop;
	(pc) =	sbr.ind lr, $3  }
0x3a: {  	_ = 	snop  }
0x3b: {  	_ = 	snop  }
0x3c: {  	p2 =	seq.s32 s10, $0x1;
	s10 =	sld [smem:$0x3FB8]  }
0x3d: {  	_ =	shalt  }
0x3e: {  	_ =	shalt  }
0x3f: {  	_ =	shalt  }
0x40: {  	_ =	shalt  }
0x41: {  	_ =	shalt  }
0x42: {  	_ =	shalt  }
0x43: {  	_ =	shalt  }
0x44: {  	_ =	shalt  }
0x45: {  	_ =	shalt  }
0x46: {  	_ =	shalt  }
0x47: {  	_ =	shalt  }
0x48: {  	_ =	shalt  }
0x49: {  	_ =	shalt  }
0x4a: {  	_ =	shalt  }
0x4b: {  	_ =	shalt  }
0x4c: {  	_ =	shalt  }
0x4d: {  	_ =	shalt  }
0x4e: {  	_ =	shalt  }
0x4f: {  	_ =	shalt  }
0x50: {  	_ =	shalt  }
0x51: {  	_ =	shalt  }
0x52: {  	_ =	shalt  }
0x53: {  	_ =	shalt  }
0x54: {  	_ =	shalt  }
0x55: {  	_ =	shalt  }
0x56: {  	_ =	shalt  }
0x57: {  	_ =	shalt  }
0x58: {  	_ =	shalt  }
0x59: {  	_ =	shalt  }
0x5a: {  	_ =	shalt  }
0x5b: {  	_ =	shalt  }
0x5c: {  	_ =	shalt  }
0x5d: {  	_ =	shalt  }
0x5e: {  	_ =	shalt  }
0x5f: {  	_ =	shalt  }
0x60: {  	_ =	shalt  }
0x61: {  	_ =	shalt  }
0x62: {  	_ =	shalt  }
0x63: {  	_ =	shalt  }
0x64: {  	_ =	shalt  }
0x65: {  	_ =	shalt  }
0x66: {  	_ =	shalt  }
0x67: {  	_ =	shalt  }
0x68: {  	_ =	shalt  }
0x69: {  	_ =	shalt  }
0x6a: {  	_ =	shalt  }
0x6b: {  	_ =	shalt  }
0x6c: {  	_ =	shalt  }
0x6d: {  	_ =	shalt  }
0x6e: {  	_ =	shalt  }
0x6f: {  	_ =	shalt  }
0x70: {  	_ =	shalt  }
0x71: {  	_ =	shalt  }
0x72: {  	_ =	shalt  }
0x73: {  	_ =	shalt  }
0x74: {  	_ =	shalt  }
0x75: {  	_ =	shalt  }
0x76: {  	_ =	shalt  }
0x77: {  	_ =	shalt  }
0x78: {  	_ =	shalt  }
0x79: {  	_ =	shalt  }
0x7a: {  	_ =	shalt  }
0x7b: {  	_ =	shalt  }
0x7c: {  	_ =	shalt  }
0x7d: {  	_ =	shalt  }
0x7e: {  	_ =	shalt  }
0x7f: {  	_ =	shalt  }
0x80: {  	_ =	shalt  }
0x81: {  	_ =	shalt  }
0x82: {  	_ =	shalt  }
0x83: {  	_ =	shalt  }
0x84: {  	_ =	shalt  }
0x85: {  	_ =	shalt  }
0x86: {  	_ =	shalt  }
0x87: {  	_ =	shalt  }
.Lfunc_end0:
.L_simem_size_0:
called_computation_lowered:
.L_overlay_start_0:
0x88: {  	s2 =	sld [smem:$0x3FD9]  }
0x89: {  	s3 =	sld [smem:$0x3FFE];
	_ =	sdelay $0x1  }
0x8a: {  	s1 =	srdreg.scid  }
0x8b: {  	s0 =	sand.u32 $0x1, s1  }
0x8c: {  	s18 =	sshll.u32 s0, $0xA;
	s2 =	sadd.s32 s3, s2  }
0x8d: {  	s2 =	sadd.s32 s2, s18  }
0x8e: {  	[smem:$0x3FC4] =	sst s2  }
0x8f: {  	_ = 	snop  }
0x90: {  	s2 =	sld [smem:$0x3FC9]  }
0x91: {  	s19 =	sld [smem:$0x3FC8]  }
0x92: {  	s4 =	sld [smem:$0x3FC7]  }
0x93: {  	s5 =	sld [smem:$0x3FC6]  }
0x94: {  	s6 =	sld [smem:$0x3FD0];
	(tm) =	ssettm $0x1  }
0x95: {  	s7 =	sld [smem:$0x3FFB];
	_ =	sdelay $0x3  }
0x96: {  	_ =	strace s7  }
0x97: {  	s7 =	sld [smem:$0x3FFC];
	_ =	sdelay $0x3  }
0x98: {  	_ =	strace s7  }
0x99: {  	s7 =	sld [smem:$0x3FFD];
	_ =	sdelay $0x3  }
0x9a: {  	_ =	strace s7  }
0x9b: {  	_ =	strace $0x8FFFFFFF  }
0x9c: {  	s20 =	sld [smem:$0x3FDB];
	_ =	sdelay $0x1  }
0x9d: {  	s8 =	simm.s32 $_scs_section_size  }
0x9e: {  	s9 =	simm.s32 $_size__tile_overlayer_lowered;
	s10 =	simm.s32 $_tile_overlayer_lowered  }
0x9f: {  	s23 =	simm.s32 $0x1BFF;
	s22 =	sshll.u32 s10, $0x1;
	s7 =	sadd.s32 s8, s20  }
0xa0: {  	s11 =	simm.s32 $0x0;
	s21 =	sshll.u32 s9, $0x1;
	s9 =	sadd.s32 s22, s7  }
0xa1: {  	[timem:s11], [sflag:s23] =	dma.local [hbm:s9], s21  }
0xa2: {  	_ =	swait.ge [sflag:s23], s21  }
0xa3: {  	s8 =	ssub.s32 $0x0, s21;
	[sflag:s23] =	ssyncset.done $0x0  }
0xa4: {  	[sflag:s23] =	ssyncadd.s32 s8;
	_ =	sdelay $0x1  }
0xa5: {  	s24 =	simm.s32 $0x1B8B  }
0xa6: {  	_ =	swait.ge [sflag:s24], $0x1  }
0xa7: {  	[sflag:s24] =	ssyncset.done $0x0  }
0xa8: {  	s25 =	simm.s32 $0x1B8E;
	[sflag:s24] =	ssyncadd.s32 $0xFFFFFFFF  }
0xa9: {  	s26 =	simm.s32 $execute0_lowered;
	[smem:$0x3FD2] =	sst s25  }
0xaa: {  	s8 =	sshll.u32 s26, $0x1;
	_ =	strace $0x80000046;
	[dreg:$0x1] =	wrdreg $0xFFFFFFFF  }
0xab: {  	s28 =	simm.s32 $_size_execute0_lowered;
	s7 =	sadd.s32 s7, s8;
	[dreg:$0x0] =	wrdreg $0x0  }
0xac: {  	s8 =	sshll.u32 s28, $0x1;
	[dreg:$0x2] =	wrdreg s7  }
0xad: {  	[dreg:$0x3] =	wrdreg s8  }
0xae: {  	[dreg:$0x4] =	wrdreg $0xC0  }
0xaf: {  	_ =	task [dreg:s11], $0x5FFFF  }
0xb0: {  	[dreg:$0x1] =	wrdreg $0xFFFFFFFF  }
0xb1: {  	[dreg:$0x0] =	wrdreg $0x60  }
0xb2: {  	[dreg:$0x2] =	wrdreg s2  }
0xb3: {  	[dreg:$0x3] =	wrdreg s19  }
0xb4: {  	[dreg:$0x4] =	wrdreg s4  }
0xb5: {  	[dreg:$0x5] =	wrdreg s5  }
0xb6: {  	[dreg:$0x6] =	wrdreg s6  }
0xb7: {  	[dreg:$0x7] =	wrdreg $0x29800  }
0xb8: {  	[dreg:$0x8] =	wrdreg $0x9  }
0xb9: {  	_ =	task.clear_ibuf [dreg:s11], $0x9FFFF;
	_ =	strace $0x90000046  }
0xba: {  	s29 =	simm.s32 $0x9;
	_ =	strace $0x80000048  }
0xbb: {  	_ =	swait.ge [sflag:s29], $0x1  }
0xbc: {  	[sflag:s29] =	ssyncadd.s32 $0xFFFFFFFF  }
0xbd: {  	_ =	strace $0x90000048  }
0xbe: {  	_ =	sfence  }
0xbf: {  	s30 =	sld [smem:$0x0];
	_ =	sdelay $0x2  }
0xc0: {  	s31 =	sshll.u32 s1, $0xD;
	s1 =	sshrl.u32 s1, $0x2  }
0xc1: {  	s3 =	sand.u32 $0x4000, s31;
	s1 =	sadd.s32 s1, s30  }
0xc2: {  	s0 =	sor.u32 s3, s0;
	s1 =	sshll.u32 s1, $0x11  }
0xc3: {  	s0 =	sor.u32 s1, s0  }
0xc4: {  	s0 =	sadd.s32 $0x8F2B, s0  }
0xc5: {  	[sflag:s0] =	ssyncadd.remote.s32 $0x1  }
0xc6: {  	_ =	sfence.sel $0xFFFF  }
0xc7: {  	[dreg:$0x0] =	wrdreg $0xFFFFFFFF;
	(pc) =	sbr.abs _section_cstart, $3  }
0xc8: {  	[dreg:$0x1] =	wrdreg $0xFFFFFFFF  }
0xc9: {  	_ =	task.clear_ibuf [dreg:s11], $0x2FFFF;
	_ =	strace $0x9FFFFFFF  }
0xca: {  	(tm) =	ssettm $0x7FFFFFFF  }
0xcb: {  	_ =	shalt  }
tec
execute0_lowered:
.L_overlay_start_1:
0x0: {  	(tag) =	ssettag $0x1  }
0x1: {  	s1 =	rddreg [dreg:$0x0]  }
0x2: {  	s2 =	rddreg [dreg:$0x1]  }
0x3: {  	s3 =	rddreg [dreg:$0x2]  }
0x4: {  	s4 =	rddreg [dreg:$0x3]  }
0x5: {  	s17 =	rddreg [dreg:$0x4]  }
0x6: {  	s6 =	rddreg [dreg:$0x5]  }
0x7: {  	s0 =	rddreg [dreg:$0x6];
	s8 =	srdreg.scid  }
0x8: {  	s5 =	stileid.u32;
	s7 =	simm.s32 $0x0;
	s21 =	simm.s32 $0x80  }
0x9: {  	s22 =	simm.s32 $0x100;
	s23 =	simm.s32 $0x50;
	s24 =	simm.s32 $0x1  }
0xa: {  	s16 =	sand.u32 $0x1, s8;
	s31 =	smul.u32 $0x50000, s5;
	[smem:$0x7FF] =	sst s7  }
0xb: {  	s19 =	smul.u32 $0x14000, s5;
	s20 =	sshll.u32 s5, $0x1;
	s9 =	ssub.s32 $0x2, s16  }
0xc: {  	_ =	strace $0x80000047;
	s15 =	smul.u32 $0x140000, s16;
	s16 =	sor.u32 s16, s20  }
0xd: {  	s20 =	simm.s32 $0x2;
	s10 =	sshrl.u32 s9, $0x1;
	s8 =	sshrl.u32 s31, $0x2  }
0xe: {  	s16 =	smul.u32 $0x2710, s16;
	s18 =	ssub.s32 s9, s10;
	s8 =	sadd.s32 s8, s6  }
0xf: {  	s19 =	sadd.s32 s19, s15;
	s9 =	sadd.s32 $0x2800, s8;
	s10 =	sadd.s32 $0x5000, s8  }
0x10: {  	s11 =	sadd.s32 $0x7800, s8;
	s12 =	sadd.s32 $0xA000, s8;
	s13 =	sadd.s32 $0xC800, s8  }
0x11: {  	s14 =	sadd.s32 $0xF000, s8;
	s15 =	sadd.s32 $0x11800, s8;
	s19 =	sshrl.u32 s19, $0x3  }
0x12: {  	v0 =	vimm.f32 $0.0e+00;
	s18 =	smax.u32 s18, $0x1;
	s17 =	sadd.s32 s17, s19;
	s19 =	simm.s32 $0x180  }
.LBB2_1:
0x13: {  	s25 =	simm.s32 $0x0;
	s26 =	simm.s32 $0x200  }
.LBB2_2:
0x14: {  	p0 =	sne.s32 s26, $0x9E00;
	[tilespmem:s25+$0x1F0] =	vst v0  }
0x15: {  	[tilespmem:s25+$0x180] =	vst v0  }
0x16: {  	[tilespmem:s25+$0x190] =	vst v0  }
.Ltmp0:
0x17: {  	[tilespmem:s25+$0x1A0] =	vst v0;
	(pc) =	sbr.rel @p0 .LBB2_2-.Ltmp0, $4  }
0x18: {  	[tilespmem:s25+$0x1B0] =	vst v0  }
0x19: {  	[tilespmem:s25+$0x1C0] =	vst v0  }
0x1a: {  	[tilespmem:s25+$0x1D0] =	vst v0  }
0x1b: {  	[tilespmem:s25+$0x1E0] =	vst v0;
	s25 =	sshra.s32 s26, $0x2;
	s26 =	sadd.s32 $0x200, s26  }
0x1c: {  	[tilespmem:s25+$0x1F0] =	vst v0  }
0x1d: {  	[tilespmem:s25+$0x180] =	vst v0  }
0x1e: {  	[tilespmem:s25+$0x190] =	vst v0  }
0x1f: {  	[tilespmem:s25+$0x1A0] =	vst v0  }
0x20: {  	[tilespmem:s25+$0x1B0] =	vst v0  }
0x21: {  	[tilespmem:s25+$0x1C0] =	vst v0  }
0x22: {  	[tilespmem:s25+$0x1D0] =	vst v0  }
0x23: {  	[tilespmem:s25+$0x1E0] =	vst v0  }
0x24: {  	[spmem:s8] =	stream.linear.scatter [tilespmem:s19], [sflag:$0x2], $0x2800, $0x38;
	[tilespmem:$0x16980] =	vst v63  }
0x25: {  	_ =	swait.ge [sflag:s20], $0x2800  }
0x26: {  	[sflag:s20] =	ssyncset.done $0x0  }
0x27: {  	[sflag:s20] =	ssyncadd.s32 $0xFFFFD800  }
0x28: {  	[spmem:s9] =	stream.linear.scatter [tilespmem:s19], [sflag:$0x2], $0x2800, $0x38;
	[tilespmem:$0x16980] =	vst v63  }
0x29: {  	_ =	swait.ge [sflag:s20], $0x2800  }
0x2a: {  	[sflag:s20] =	ssyncset.done $0x0  }
0x2b: {  	[sflag:s20] =	ssyncadd.s32 $0xFFFFD800  }
0x2c: {  	[spmem:s10] =	stream.linear.scatter [tilespmem:s19], [sflag:$0x2], $0x2800, $0x38;
	[tilespmem:$0x16980] =	vst v63  }
0x2d: {  	_ =	swait.ge [sflag:s20], $0x2800  }
0x2e: {  	[sflag:s20] =	ssyncset.done $0x0  }
0x2f: {  	[sflag:s20] =	ssyncadd.s32 $0xFFFFD800  }
0x30: {  	[spmem:s11] =	stream.linear.scatter [tilespmem:s19], [sflag:$0x2], $0x2800, $0x38;
	[tilespmem:$0x16980] =	vst v63  }
0x31: {  	_ =	swait.ge [sflag:s20], $0x2800  }
0x32: {  	[sflag:s20] =	ssyncset.done $0x0  }
0x33: {  	[sflag:s20] =	ssyncadd.s32 $0xFFFFD800  }
0x34: {  	[spmem:s12] =	stream.linear.scatter [tilespmem:s19], [sflag:$0x2], $0x2800, $0x38;
	[tilespmem:$0x16980] =	vst v63  }
0x35: {  	_ =	swait.ge [sflag:s20], $0x2800  }
0x36: {  	[sflag:s20] =	ssyncset.done $0x0  }
0x37: {  	[sflag:s20] =	ssyncadd.s32 $0xFFFFD800  }
0x38: {  	[spmem:s13] =	stream.linear.scatter [tilespmem:s19], [sflag:$0x2], $0x2800, $0x38;
	[tilespmem:$0x16980] =	vst v63  }
0x39: {  	_ =	swait.ge [sflag:s20], $0x2800  }
0x3a: {  	[sflag:s20] =	ssyncset.done $0x0  }
0x3b: {  	[sflag:s20] =	ssyncadd.s32 $0xFFFFD800  }
0x3c: {  	[spmem:s14] =	stream.linear.scatter [tilespmem:s19], [sflag:$0x2], $0x2800, $0x38;
	[tilespmem:$0x16980] =	vst v63  }
0x3d: {  	_ =	swait.ge [sflag:s20], $0x2800  }
0x3e: {  	[sflag:s20] =	ssyncset.done $0x0  }
0x3f: {  	[sflag:s20] =	ssyncadd.s32 $0xFFFFD800  }
0x40: {  	[spmem:s15] =	stream.linear.scatter [tilespmem:s19], [sflag:$0x2], $0x2800, $0x38;
	[tilespmem:$0x16980] =	vst v63  }
0x41: {  	_ =	swait.ge [sflag:s20], $0x2800  }
0x42: {  	[sflag:s20] =	ssyncset.done $0x0  }
0x43: {  	[sflag:s20] =	ssyncadd.s32 $0xFFFFD800  }
0x44: {  	s25 =	simm.s32 $0x0;
	s26 =	simm.s32 $0x0;
	[bflag:$0x0] =	sbarrier.arrive $0xFFFF  }
.LBB2_4:
0x45: {  	s28 =	smul.u32 $0x50, s26;
	_ =	sdelay $0x1  }
0x46: {  	s28 =	sadd.s32 s16, s28  }
0x47: {  	s28 =	sshrl.u32 s28, $0x3  }
0x48: {  	s29 =	sadd.s32 s2, s28  }
0x49: {  	[tilespmem:s25], [sflag:$0x2] =	stream.linear.gather [hbm4b:s29+s25], $0x50, $0x38;
	[tilespmem:$0x16980] =	vst v63  }
0x4a: {  	_ =	swait.ge [sflag:s20], $0x50  }
0x4b: {  	[sflag:s20] =	ssyncset.done $0x0  }
0x4c: {  	s29 =	sadd.s32 s3, s28;
	[sflag:s20] =	ssyncadd.s32 $0xFFFFFFB0  }
0x4d: {  	[tilespmem:s21], [sflag:$0x2] =	stream.linear.gather [hbm4b:s29+s25], $0x50, $0x38;
	[tilespmem:$0x16980] =	vst v63  }
0x4e: {  	_ =	swait.ge [sflag:s20], $0x50  }
0x4f: {  	[sflag:s20] =	ssyncset.done $0x0  }
0x50: {  	s28 =	sadd.s32 s4, s28;
	[sflag:s20] =	ssyncadd.s32 $0xFFFFFFB0  }
0x51: {  	[tilespmem:s22], [sflag:$0x2] =	stream.linear.gather [hbm4b:s28+s25], $0x50, $0x38;
	[tilespmem:$0x16980] =	vst v63  }
0x52: {  	_ =	swait.ge [sflag:s20], $0x50  }
0x53: {  	[sflag:s20] =	ssyncset.done $0x0  }
0x54: {  	[sflag:s20] =	ssyncadd.s32 $0xFFFFFFB0  }
0x55: {  	[tilespmem:s19], [sflag:$0x1] =	stream.indirect.gather [hbm4b:s1+s23], $0x80, s25, s23, $0xb8;
	[tilespmem:$0x16980] =	vst v63  }
0x56: {  	_ =	swait.ge [sflag:s24], $0x2800  }
0x57: {  	v1 =	vmov s25;
	[sflag:s24] =	ssyncset.done $0x0  }
0x58: {  	s28 =	simm.s32 $0x1C0;
	[sflag:s24] =	ssyncadd.s32 $0xFFFFD800  }
0x59: {  	v5 =	vld [tilespmem:s28+$0x30]  }
0x5a: {  	v8 =	vld [tilespmem:s28+$0x10]  }
0x5b: {  	v6 =	vld [tilespmem:s28+$0xFFFFFFC0]  }
0x5c: {  	v2 =	vld.idx.msk [tilespmem:v1+s22+$0x0], $0xffff  }
0x5d: {  	v10 =	vld [tilespmem:s28+$0xFFFFFFE0]  }
0x5e: {  	v1 =	vld [tilespmem:s28+$0xFFFFFFF0]  }
0x5f: {  	v3 =	vld [tilespmem:s28+$0x20]  }
0x60: {  	v4 =	vld [tilespmem:s28+$0xFFFFFFD0]  }
0x61: {  	v9 =	vmul.f32 v5, v2;
	v5 =	vld [tilespmem:s28+$0x0]  }
0x62: {  	v7 =	vmul.f32 v6, v2  }
0x63: {  	s30 =	simm.s32 $0x1C0;
	s29 =	simm.s32 $0x1;
	v6 =	vmul.f32 v10, v2;
	v8 =	vmul.f32 v8, v2  }
.LBB2_5:
0x64: {  	p0 =	sne.s32 s29, $0x4F  }
0x65: {  	v4 =	vmul.f32 v4, v2;
	v3 =	vmul.f32 v3, v2;
	[tilespmem:s28+$0x30] =	vst v9;
	s30 =	sadd.s32 $0x80, s30;
	s31 =	smov.u32 s29;
	s29 =	sadd.s32 $0x1, s29  }
0x66: {  	[tilespmem:s28+$0xFFFFFFC0] =	vst v7;
	v7 =	vmul.f32 v1, v2;
	v2 =	vmul.f32 v5, v2  }
0x67: {  	[tilespmem:s28+$0x10] =	vst v8  }
0x68: {  	v5 =	vmov s31;
	[tilespmem:s28+$0xFFFFFFE0] =	vst v6  }
0x69: {  	v1 =	vld [tilespmem:s30+$0xFFFFFFF0];
	[tilespmem:s28+$0xFFFFFFF0] =	vst v7  }
0x6a: {  	v6 =	vld [tilespmem:s30+$0x30];
	[tilespmem:s28+$0x0] =	vst v2  }
0x6b: {  	v8 =	vld [tilespmem:s30+$0x10];
	[tilespmem:s28+$0x20] =	vst v3  }
0x6c: {  	v7 =	vld [tilespmem:s30+$0xFFFFFFC0];
	[tilespmem:s28+$0xFFFFFFD0] =	vst v4;
	s28 =	smov.u32 s30  }
0x6d: {  	v2 =	vld.idx.msk [tilespmem:v5+s22+$0x0], $0xffff  }
0x6e: {  	v10 =	vld [tilespmem:s30+$0xFFFFFFE0]  }
0x6f: {  	v3 =	vld [tilespmem:s30+$0x20]  }
.Ltmp1:
0x70: {  	v4 =	vld [tilespmem:s30+$0xFFFFFFD0];
	(pc) =	sbr.rel @p0 .LBB2_5-.Ltmp1, $3  }
0x71: {  	v5 =	vld [tilespmem:s30+$0x0];
	_ =	sdelay $0x1  }
0x72: {  	v7 =	vmul.f32 v7, v2;
	v9 =	vmul.f32 v6, v2  }
0x73: {  	v8 =	vmul.f32 v8, v2;
	v6 =	vmul.f32 v10, v2  }
0x74: {  	[tilespmem:s28+$0x30] =	vst v9  }
0x75: {  	[tilespmem:s28+$0xFFFFFFC0] =	vst v7  }
0x76: {  	v1 =	vmul.f32 v1, v2;
	[tilespmem:s28+$0x10] =	vst v8  }
0x77: {  	v3 =	vmul.f32 v3, v2;
	[tilespmem:s28+$0xFFFFFFE0] =	vst v6  }
0x78: {  	v5 =	vmul.f32 v5, v2;
	[tilespmem:s28+$0xFFFFFFF0] =	vst v1  }
0x79: {  	s26 =	sadd.s32 $0x1, s26;
	v1 =	vmul.f32 v4, v2;
	[tilespmem:s28+$0x20] =	vst v3  }
0x7a: {  	p0 =	sne.s32 s26, $0x7D;
	[tilespmem:s28+$0x0] =	vst v5  }
.Ltmp2:
0x7b: {  	[tilespmem:s28+$0xFFFFFFD0] =	vst v1;
	(pc) =	sbr.rel @p0 .LBB2_4-.Ltmp2, $4  }
0x7c: {  	[spmem:s6] =	stream.indirect.scatter.add.f32 [tilespmem:s19], [sflag:$0x2], $0x80, s21, s23, $0xb8;
	[tilespmem:$0x16980] =	vst v63  }
0x7d: {  	_ =	swait.ge [sflag:s20], $0x2800  }
0x7e: {  	[sflag:s20] =	ssyncset.done $0x0  }
0x7f: {  	[sflag:s20] =	ssyncadd.s32 $0xFFFFD800  }
0x80: {  	s7 =	sadd.s32 $0x1, s7  }
0x81: {  	s25 =	sshll.u32 s5, $0x6;
	[bflag:$0x0] =	sbarrier.arrive $0xFFFF;
	p0 =	sne.s32 s7, s18  }
.Ltmp3:
0x82: {  	s26 =	sshrl.u32 s8, $0x3;
	s25 =	sor.u32 $0x1C02, s25;
	(pc) =	sbr.rel @p0 .LBB2_1-.Ltmp3, $4  }
0x83: {  	[hbm:s17], [sflag:s25] =	dma.local [spmem:s26], $0x2800  }
0x84: {  	_ =	swait.ge [sflag:s20], $0x2800  }
0x85: {  	[sflag:s20] =	ssyncset.done $0x0  }
0x86: {  	[sflag:s20] =	ssyncadd.s32 $0xFFFFD800  }
0x87: {  	_ =	sfence.sel $0x180000  }
0x88: {  	[bflag:$0x0] =	sbarrier.arrive $0xFFFF  }
0x89: {  	p0 =	sne.s32 s5, $0x0;
	_ =	strace $0x90000047  }
0x8a: {  	s0 =	sadd.s32 @!p0 $0x100000, s0;
	[bflag:$0x2] =	sbarrier.arrive $0xFFFF  }
0x8b: {  	[sflag:s0] =	ssyncadd.tile.s32 @!p0 $0x1;
	_ =	shalt  }
.Lfunc_end2:
_tile_overlayer_lowered:
.L_overlay_start_2:
0x8c: {  	(tag) =	ssettag $0x2  }
0x8d: {  	s0 =	rddreg [dreg:$0x0];
	s2 =	stileid.u32  }
0x8e: {  	s1 =	rddreg [dreg:$0x1];
	p0 =	sne.s32 s2, $0x0  }
0x8f: {  	s3 =	rddreg [dreg:$0x2];
	[bflag:$0x3] =	sbarrier.arrive $0xFFFF;
	s2 =	simm.s32 @!p0 $0x1C02  }
0x90: {  	[timem:s3], [sflag:s2] =	dma.local @!p0 [hbm:s0], s1  }
0x91: {  	s0 =	simm.s32 @!p0 $0x2  }
0x92: {  	_ =	swait.ge @!p0 [sflag:s0], s1  }
0x93: {  	s1 =	ssub.s32 @!p0 $0x0, s1;
	[sflag:s0] =	ssyncset.done @!p0 $0x0  }
0x94: {  	[sflag:s0] =	ssyncadd.s32 @!p0 s1  }
0x95: {  	[bflag:$0x3] =	sbarrier.arrive $0xFFFF  }
0x96: {  	_ =	shalt  }

</sc_bundles>
